<compile_context>
chip_gen: v7x
topology: tpu7x:2x2x1
jax: 0.10.2.dev20260603
libtpu: 0.0.44.dev20260713+nightly
codegen_flags: <defaults>
</compile_context>

<pallas_src>
import functools

import jax
import jax.numpy as jnp
from jax import lax
from jax.experimental import pallas as pl
from jax.experimental.pallas import tpu as pltpu
from jax.experimental.pallas import tpu_sc as plsc

H = 128
SEQ = 200
BATCH = 1024
NSPK = 10
N = BATCH * SEQ
NC, NS = 2, 16
NW = NC * NS
PER_W = N // NW
C = 128
NCHUNK = PER_W // C
NCH_P = NCHUNK + 2


def _tc_combo(speaker_ids2d, pos_rows, speaker_emb, fc_W, fc_b2d):

    def body(spk_ref, pos_ref, semb_ref, w_ref, b_ref, combo_ref, bidx_ref):
        x = jnp.dot(semb_ref[...], w_ref[...],
                    preferred_element_type=jnp.float32) + b_ref[...]
        feat = jnp.maximum(x, 0.0) + jnp.log1p(jnp.exp(-jnp.abs(x)))
        combo_ref[...] = feat[:, None, :] + pos_ref[...][None, :, :]
        bidx_ref[...] = spk_ref[...] * SEQ + lax.broadcasted_iota(
            jnp.int32, (BATCH, SEQ), 1)

    return pl.pallas_call(
        body,
        out_shape=(
            jax.ShapeDtypeStruct((NSPK, SEQ, H), jnp.float32),
            jax.ShapeDtypeStruct((BATCH, SEQ), jnp.int32),
        ),
    )(speaker_ids2d, pos_rows, speaker_emb, fc_W, fc_b2d)


def _sc_gather(char_emb, mixp, combo2d):
    mesh = plsc.VectorSubcoreMesh(core_axis_name="c", subcore_axis_name="s")

    @functools.partial(
        pl.kernel,
        out_type=jax.ShapeDtypeStruct((N, H), jnp.float32),
        mesh=mesh,
        scratch_types=[
            pltpu.VMEM((NCH_P, 2, C), jnp.int32),
            pltpu.VMEM((C, H), jnp.float32),
            pltpu.VMEM((C, H), jnp.float32),
            pltpu.VMEM((C, H), jnp.float32),
            pltpu.VMEM((C, H), jnp.float32),
            pltpu.VMEM((C, H), jnp.float32),
            pltpu.VMEM((C, H), jnp.float32),
            pltpu.VMEM_SHARED((NSPK * SEQ, H), jnp.float32),
            pltpu.SemaphoreType.DMA((3,)),
            pltpu.SemaphoreType.DMA((3,)),
            pltpu.SemaphoreType.DMA((3,)),
        ],
    )
    def k(char_hbm, mix_hbm, combo_hbm, out_hbm,
          ibuf, r0, r1, r2, c0, c1, c2, combo_sh, gsem, csem, osem):
        rows = (r0, r1, r2)
        crows = (c0, c1, c2)
        wid = lax.axis_index("s") * NC + lax.axis_index("c")
        base_w = wid * PER_W

        @pl.when(lax.axis_index("s") == 0)
        def _stage_combo():
            pltpu.sync_copy(combo_hbm, combo_sh)

        pltpu.sync_copy(mix_hbm.at[pl.ds(wid * NCH_P, NCH_P)], ibuf)
        plsc.subcore_barrier()

        def fire_g(c, p):
            pltpu.async_copy(char_hbm.at[ibuf.at[c, 0]], rows[p], gsem.at[p])
            pltpu.async_copy(combo_sh.at[ibuf.at[c, 1]], crows[p], csem.at[p])

        def wait_g(c, p):
            pltpu.make_async_copy(char_hbm.at[ibuf.at[c, 0]], rows[p],
                                  gsem.at[p]).wait()
            pltpu.make_async_copy(combo_sh.at[ibuf.at[c, 1]], crows[p],
                                  csem.at[p]).wait()

        def out_slice(c):
            return out_hbm.at[pl.ds(base_w + c * C, C)]

        def fire_w(c, p):
            pltpu.async_copy(rows[p], out_slice(c), osem.at[p])

        def wait_w(c, p):
            pltpu.make_async_copy(rows[p], out_slice(c), osem.at[p]).wait()

        def valu_add(p):
            rp, cp = rows[p], crows[p]

            def row4(i, carry):
                r = i * 4
                for rr in range(4):
                    for j in range(H // 16):
                        plsc.addupdate(rp.at[r + rr, pl.ds(j * 16, 16)],
                                       cp[r + rr, pl.ds(j * 16, 16)])
                return carry

            lax.fori_loop(0, C // 4, row4, 0)

        def chunk(c, carry):
            pltpu.async_copy(char_hbm.at[ibuf.at[c, 0]], rows[0],
                             gsem.at[0]).wait()
            pltpu.async_copy(combo_sh.at[ibuf.at[c, 1]], rows[0],
                             csem.at[0], add=True).wait()
            fire_w(c, 0)
            wait_w(c, 0)
            return carry

        lax.fori_loop(0, NCHUNK, chunk, 0)

    return k(char_emb, mixp, combo2d)


def kernel(input_ids, speaker_ids, char_emb, pos_table, speaker_emb, fc_W, fc_b):
    pos_rows = lax.slice_in_dim(pos_table, 1, SEQ + 1, axis=0)
    combo3, bidx = _tc_combo(speaker_ids[:, None].astype(jnp.int32), pos_rows,
                             speaker_emb, fc_W, fc_b[None, :])
    ids2d = input_ids.reshape(N // C, C)
    bidx2d = bidx.reshape(N // C, C)
    mix = jnp.stack([ids2d, bidx2d], axis=1).reshape(NW, NCHUNK, 2, C)
    mixp = jnp.concatenate(
        [mix, jnp.zeros((NW, NCH_P - NCHUNK, 2, C), jnp.int32)],
        axis=1).reshape(NW * NCH_P, 2, C)
    out = _sc_gather(char_emb, mixp, combo3.reshape(NSPK * SEQ, H))
    return out.reshape(BATCH, SEQ, H)

# --- scband reference (transcript-rebuilt; emitter-appended) ---
"""Pipeline reference for scband-tffast-speech-embeddings-11871289606215 (READ-ONLY COPY).

The authoritative reference and input builder live on the scoring server;
editing this copy changes nothing except your own understanding.
"""

import jax, jax.numpy as jnp
import numpy as np

VOCAB = 100000
HIDDEN = 128
MAX_POS = 2048
N_SPEAKERS = 10
BATCH = 1024
SEQ = 200


def _sincos_embedding(max_pos, hidden):
    position_enc = np.array([[pos / np.power(10000, 2.0 * (i // 2) / hidden) for i in range(hidden)] for pos in range(max_pos + 1)])
    position_enc[:, 0::2] = np.sin(position_enc[:, 0::2])
    position_enc[:, 1::2] = np.cos(position_enc[:, 1::2])
    position_enc[0] = 0.0
    return jnp.asarray(position_enc, dtype=jnp.float32)


def setup_inputs(seed: int = 0) -> dict:
    key = jax.random.key(seed)
    k1, k2, k3, k4, k5, k6 = jax.random.split(key, 6)
    input_ids = jax.random.randint(k1, (BATCH, SEQ), 0, VOCAB, dtype=jnp.int32)
    speaker_ids = jax.random.randint(k2, (BATCH,), 0, N_SPEAKERS, dtype=jnp.int32)
    char_emb = jax.random.normal(k3, (VOCAB, HIDDEN), dtype=jnp.float32) * 0.02
    pos_table = _sincos_embedding(MAX_POS, HIDDEN)
    speaker_emb = jax.random.normal(k4, (N_SPEAKERS, HIDDEN), dtype=jnp.float32) * 0.02
    fc_W = jax.random.normal(k5, (HIDDEN, HIDDEN), dtype=jnp.float32) * 0.02
    fc_b = jnp.zeros((HIDDEN,), dtype=jnp.float32)
    return {"input_ids": input_ids, "speaker_ids": speaker_ids, "char_emb": char_emb, "pos_table": pos_table, "speaker_emb": speaker_emb, "fc_W": fc_W, "fc_b": fc_b}


def reference(input_ids, speaker_ids, char_emb, pos_table, speaker_emb, fc_W, fc_b):
    seq_length = input_ids.shape[1]
    # position ids 1..seq_length (row 0 of table is reserved/zero)
    position_ids = jnp.arange(1, seq_length + 1, dtype=jnp.int32)[None, :]
    inputs_embeds = jnp.take(char_emb, input_ids, axis=0)  # [B, L, H] gather
    position_embeddings = jnp.take(pos_table, position_ids, axis=0)  # [1, L, H]
    embeddings = inputs_embeds + position_embeddings.astype(inputs_embeds.dtype)
    # speaker path (n_speakers > 1)
    speaker_embeddings = jnp.take(speaker_emb, speaker_ids, axis=0)  # [B, H]
    speaker_features = jax.nn.softplus(speaker_embeddings @ fc_W + fc_b)  # [B, H]
    embeddings = embeddings + speaker_features[:, None, :]
    return embeddings

if __name__ == "__main__":
    import jax
    _d = setup_inputs()
    print(jax.jit(kernel)(*tuple(_d.values())))

</pallas_src>

<mosaic_0001>
#map = affine_map<(d0, d1) -> (0, 0)>
#map1 = affine_map<(d0, d1) -> (0, 0, 0)>
module attributes {stable_mosaic.version = 14 : i64} {
  func.func @k(%arg0: i32, %arg1: i32, %arg2: memref<100000x128xf32, #tpu.memory_space<hbm>>, %arg3: memref<1664x2x128xi32, #tpu.memory_space<hbm>>, %arg4: memref<2000x128xf32, #tpu.memory_space<hbm>>, %arg5: memref<204800x128xf32, #tpu.memory_space<hbm>>, %arg6: memref<52x2x128xi32, #tpu.memory_space<vmem>>, %arg7: memref<128x128xf32, #tpu.memory_space<vmem>>, %arg8: memref<128x128xf32, #tpu.memory_space<vmem>>, %arg9: memref<128x128xf32, #tpu.memory_space<vmem>>, %arg10: memref<128x128xf32, #tpu.memory_space<vmem>>, %arg11: memref<128x128xf32, #tpu.memory_space<vmem>>, %arg12: memref<128x128xf32, #tpu.memory_space<vmem>>, %arg13: memref<2000x128xf32, #tpu.memory_space<vmem_shared>>, %arg14: memref<3x!tpu.dma_semaphore, #tpu.memory_space<semaphore_mem>>, %arg15: memref<3x!tpu.dma_semaphore, #tpu.memory_space<semaphore_mem>>, %arg16: memref<3x!tpu.dma_semaphore, #tpu.memory_space<semaphore_mem>>) attributes {dimension_semantics = [#tpu.dimension_semantics<core_parallel>, #tpu.dimension_semantics<subcore_parallel>], iteration_bounds = array<i64: 2, 16>, scalar_prefetch = 0 : i64, scratch_operands = 11 : i64, tpu.core_type = #tpu.core_type<sc_vector_subcore>, window_params = [{transform_indices = #map}, {transform_indices = #map1}, {transform_indices = #map}, {transform_indices = #map}]} {
    %mul3A = arith.constant 2 : i32
    %mul3A_0 = arith.muli %arg1, %mul3A : i32
    %add3A = arith.addi %mul3A_0, %arg0 : i32
    %mul3A_1 = arith.constant 6400 : i32
    %mul3A_2 = arith.muli %add3A, %mul3A_1 : i32
    %eq3A = arith.constant 0 : i32
    %eq3A_3 = arith.cmpi eq, %arg1, %eq3A : i32
    %convert_element_type3A = arith.extui %eq3A_3 : i1 to i32
    %cond3A = arith.constant 0 : i32
    %cond3A_4 = arith.cmpi ne, %convert_element_type3A, %cond3A : i32
    scf.if %cond3A_4 {
      "tpu.region"() ({
        %run_scoped3A = tpu.sem_alloc : memref<!tpu.dma_semaphore, #tpu.memory_space<semaphore_mem>>
        tpu.enqueue_dma source(%arg4 : memref<2000x128xf32, #tpu.memory_space<hbm>>) target(%arg13 : memref<2000x128xf32, #tpu.memory_space<vmem_shared>>) target_semaphore(%run_scoped3A : memref<!tpu.dma_semaphore, #tpu.memory_space<semaphore_mem>>)
        tpu.wait_dma2 semaphore(%run_scoped3A : memref<!tpu.dma_semaphore, #tpu.memory_space<semaphore_mem>>) src(%arg4 : memref<2000x128xf32, #tpu.memory_space<hbm>>) dst(%arg13 : memref<2000x128xf32, #tpu.memory_space<vmem_shared>>)
        tpu.yield
      }) : () -> ()
    } else {
    }
    %mul3A_5 = arith.constant 52 : i32
    %mul3A_6 = arith.muli %add3A, %mul3A_5 : i32
    "tpu.region"() ({
      %run_scoped3A = tpu.sem_alloc : memref<!tpu.dma_semaphore, #tpu.memory_space<semaphore_mem>>
      %dma_start3A = arith.constant 0 : i32
      %dma_start3A_12 = arith.constant 0 : i32
      %dma_start3A_13 = tpu.memref_slice %arg3[%mul3A_6, %dma_start3A, %dma_start3A_12] : memref<1664x2x128xi32, #tpu.memory_space<hbm>> -> memref<52x2x128xi32, #tpu.memory_space<hbm>>
      %dma_start3A_14 = arith.constant 0 : i32
      %dma_start3A_15 = arith.constant 0 : i32
      %dma_start3A_16 = tpu.memref_slice %arg3[%mul3A_6, %dma_start3A_14, %dma_start3A_15] : memref<1664x2x128xi32, #tpu.memory_space<hbm>> -> memref<52x2x128xi32, #tpu.memory_space<hbm>>
      tpu.enqueue_dma source(%dma_start3A_16 : memref<52x2x128xi32, #tpu.memory_space<hbm>>) target(%arg6 : memref<52x2x128xi32, #tpu.memory_space<vmem>>) target_semaphore(%run_scoped3A : memref<!tpu.dma_semaphore, #tpu.memory_space<semaphore_mem>>)
      %dma_wait3A = arith.constant 0 : i32
      %dma_wait3A_17 = arith.constant 0 : i32
      %dma_wait3A_18 = tpu.memref_slice %arg3[%mul3A_6, %dma_wait3A, %dma_wait3A_17] : memref<1664x2x128xi32, #tpu.memory_space<hbm>> -> memref<52x2x128xi32, #tpu.memory_space<hbm>>
      %dma_wait3A_19 = arith.constant 0 : i32
      %dma_wait3A_20 = arith.constant 0 : i32
      %dma_wait3A_21 = tpu.memref_slice %arg3[%mul3A_6, %dma_wait3A_19, %dma_wait3A_20] : memref<1664x2x128xi32, #tpu.memory_space<hbm>> -> memref<52x2x128xi32, #tpu.memory_space<hbm>>
      tpu.wait_dma2 semaphore(%run_scoped3A : memref<!tpu.dma_semaphore, #tpu.memory_space<semaphore_mem>>) src(%dma_wait3A_21 : memref<52x2x128xi32, #tpu.memory_space<hbm>>) dst(%arg6 : memref<52x2x128xi32, #tpu.memory_space<vmem>>)
      tpu.yield
    }) : () -> ()
    %barrier3A = arith.constant 0 : index
    tpu.barrier barrier_id(%barrier3A)
    %scan3A = arith.constant 0 : i32
    %scan3A_7 = arith.constant 0 : i32
    %scan3A_8 = arith.constant 50 : i32
    %scan3A_9 = arith.addi %scan3A_7, %scan3A_8 : i32
    %scan3A_10 = arith.constant 1 : i32
    scf.for %scan3A_12 = %scan3A_7 to %scan3A_9 step %scan3A_10  : i32 {
      %dma_start3A = arith.constant 0 : i32
      %dma_start3A_13 = arith.constant 0 : i32
      %dma_start3A_14 = arith.constant 0 : i32
      %dma_start3A_15 = tpu.memref_slice %arg6[%scan3A_12, %dma_start3A, %dma_start3A_14] : memref<52x2x128xi32, #tpu.memory_space<vmem>> -> memref<1x1x128xi32, #tpu.memory_space<vmem>>
      %dma_start3A_16 = tpu.memref_squeeze %dma_start3A_15 : memref<1x1x128xi32, #tpu.memory_space<vmem>> -> memref<128xi32, #tpu.memory_space<vmem>>
      %dma_start3A_17 = arith.constant 0 : i32
      %dma_start3A_18 = arith.constant 0 : i32
      %dma_start3A_19 = tpu.memref_slice %arg2[%dma_start3A_17, %dma_start3A_18] : memref<100000x128xf32, #tpu.memory_space<hbm>> -> memref<100000x128xf32, #tpu.memory_space<hbm>>
      %dma_start3A_20 = tpu.memref_slice %arg14[%dma_start3A_13] : memref<3x!tpu.dma_semaphore, #tpu.memory_space<semaphore_mem>> -> memref<1x!tpu.dma_semaphore, #tpu.memory_space<semaphore_mem>>
      %dma_start3A_21 = tpu.memref_squeeze %dma_start3A_20 : memref<1x!tpu.dma_semaphore, #tpu.memory_space<semaphore_mem>> -> memref<!tpu.dma_semaphore, #tpu.memory_space<semaphore_mem>>
      tpu.enqueue_indirect_dma source(%dma_start3A_19 : memref<100000x128xf32, #tpu.memory_space<hbm>>) target(%arg7 : memref<128x128xf32, #tpu.memory_space<vmem>>) offsets(%dma_start3A_16 : memref<128xi32, #tpu.memory_space<vmem>>) semaphore(%dma_start3A_21 : memref<!tpu.dma_semaphore, #tpu.memory_space<semaphore_mem>>)
      %dma_wait3A = arith.constant 0 : i32
      %dma_wait3A_22 = arith.constant 0 : i32
      %dma_wait3A_23 = arith.constant 0 : i32
      %dma_wait3A_24 = tpu.memref_slice %arg6[%scan3A_12, %dma_wait3A, %dma_wait3A_23] : memref<52x2x128xi32, #tpu.memory_space<vmem>> -> memref<1x1x128xi32, #tpu.memory_space<vmem>>
      %dma_wait3A_25 = tpu.memref_squeeze %dma_wait3A_24 : memref<1x1x128xi32, #tpu.memory_space<vmem>> -> memref<128xi32, #tpu.memory_space<vmem>>
      %dma_wait3A_26 = arith.constant 0 : i32
      %dma_wait3A_27 = arith.constant 0 : i32
      %dma_wait3A_28 = tpu.memref_slice %arg2[%dma_wait3A_26, %dma_wait3A_27] : memref<100000x128xf32, #tpu.memory_space<hbm>> -> memref<100000x128xf32, #tpu.memory_space<hbm>>
      %dma_wait3A_29 = tpu.memref_slice %arg14[%dma_wait3A_22] : memref<3x!tpu.dma_semaphore, #tpu.memory_space<semaphore_mem>> -> memref<1x!tpu.dma_semaphore, #tpu.memory_space<semaphore_mem>>
      %dma_wait3A_30 = tpu.memref_squeeze %dma_wait3A_29 : memref<1x!tpu.dma_semaphore, #tpu.memory_space<semaphore_mem>> -> memref<!tpu.dma_semaphore, #tpu.memory_space<semaphore_mem>>
      tpu.wait_indirect_dma semaphore(%dma_wait3A_30 : memref<!tpu.dma_semaphore, #tpu.memory_space<semaphore_mem>>) src(%dma_wait3A_28 : memref<100000x128xf32, #tpu.memory_space<hbm>>) dst(%arg7 : memref<128x128xf32, #tpu.memory_space<vmem>>)
      %dma_start3A_31 = arith.constant 1 : i32
      %dma_start3A_32 = arith.constant 0 : i32
      %dma_start3A_33 = arith.constant 0 : i32
      %dma_start3A_34 = tpu.memref_slice %arg6[%scan3A_12, %dma_start3A_31, %dma_start3A_33] : memref<52x2x128xi32, #tpu.memory_space<vmem>> -> memref<1x1x128xi32, #tpu.memory_space<vmem>>
      %dma_start3A_35 = tpu.memref_squeeze %dma_start3A_34 : memref<1x1x128xi32, #tpu.memory_space<vmem>> -> memref<128xi32, #tpu.memory_space<vmem>>
      %dma_start3A_36 = arith.constant 0 : i32
      %dma_start3A_37 = arith.constant 0 : i32
      %dma_start3A_38 = tpu.memref_slice %arg13[%dma_start3A_36, %dma_start3A_37] : memref<2000x128xf32, #tpu.memory_space<vmem_shared>> -> memref<2000x128xf32, #tpu.memory_space<vmem_shared>>
      %dma_start3A_39 = tpu.memref_slice %arg15[%dma_start3A_32] : memref<3x!tpu.dma_semaphore, #tpu.memory_space<semaphore_mem>> -> memref<1x!tpu.dma_semaphore, #tpu.memory_space<semaphore_mem>>
      %dma_start3A_40 = tpu.memref_squeeze %dma_start3A_39 : memref<1x!tpu.dma_semaphore, #tpu.memory_space<semaphore_mem>> -> memref<!tpu.dma_semaphore, #tpu.memory_space<semaphore_mem>>
      tpu.enqueue_indirect_dma source(%dma_start3A_38 : memref<2000x128xf32, #tpu.memory_space<vmem_shared>>) target(%arg7 : memref<128x128xf32, #tpu.memory_space<vmem>>) offsets(%dma_start3A_35 : memref<128xi32, #tpu.memory_space<vmem>>) semaphore(%dma_start3A_40 : memref<!tpu.dma_semaphore, #tpu.memory_space<semaphore_mem>>) {add = true}
      %dma_wait3A_41 = arith.constant 1 : i32
      %dma_wait3A_42 = arith.constant 0 : i32
      %dma_wait3A_43 = arith.constant 0 : i32
      %dma_wait3A_44 = tpu.memref_slice %arg6[%scan3A_12, %dma_wait3A_41, %dma_wait3A_43] : memref<52x2x128xi32, #tpu.memory_space<vmem>> -> memref<1x1x128xi32, #tpu.memory_space<vmem>>
      %dma_wait3A_45 = tpu.memref_squeeze %dma_wait3A_44 : memref<1x1x128xi32, #tpu.memory_space<vmem>> -> memref<128xi32, #tpu.memory_space<vmem>>
      %dma_wait3A_46 = arith.constant 0 : i32
      %dma_wait3A_47 = arith.constant 0 : i32
      %dma_wait3A_48 = tpu.memref_slice %arg13[%dma_wait3A_46, %dma_wait3A_47] : memref<2000x128xf32, #tpu.memory_space<vmem_shared>> -> memref<2000x128xf32, #tpu.memory_space<vmem_shared>>
      %dma_wait3A_49 = tpu.memref_slice %arg15[%dma_wait3A_42] : memref<3x!tpu.dma_semaphore, #tpu.memory_space<semaphore_mem>> -> memref<1x!tpu.dma_semaphore, #tpu.memory_space<semaphore_mem>>
      %dma_wait3A_50 = tpu.memref_squeeze %dma_wait3A_49 : memref<1x!tpu.dma_semaphore, #tpu.memory_space<semaphore_mem>> -> memref<!tpu.dma_semaphore, #tpu.memory_space<semaphore_mem>>
      tpu.wait_indirect_dma semaphore(%dma_wait3A_50 : memref<!tpu.dma_semaphore, #tpu.memory_space<semaphore_mem>>) src(%dma_wait3A_48 : memref<2000x128xf32, #tpu.memory_space<vmem_shared>>) dst(%arg7 : memref<128x128xf32, #tpu.memory_space<vmem>>)
      %mul3A_51 = arith.constant 128 : i32
      %mul3A_52 = arith.muli %scan3A_12, %mul3A_51 : i32
      %add3A_53 = arith.addi %mul3A_2, %mul3A_52 : i32
      %dma_start3A_54 = arith.constant 0 : i32
      %dma_start3A_55 = arith.constant 0 : i32
      %dma_start3A_56 = tpu.memref_slice %arg5[%add3A_53, %dma_start3A_55] : memref<204800x128xf32, #tpu.memory_space<hbm>> -> memref<128x128xf32, #tpu.memory_space<hbm>>
      %dma_start3A_57 = tpu.memref_slice %arg16[%dma_start3A_54] : memref<3x!tpu.dma_semaphore, #tpu.memory_space<semaphore_mem>> -> memref<1x!tpu.dma_semaphore, #tpu.memory_space<semaphore_mem>>
      %dma_start3A_58 = tpu.memref_squeeze %dma_start3A_57 : memref<1x!tpu.dma_semaphore, #tpu.memory_space<semaphore_mem>> -> memref<!tpu.dma_semaphore, #tpu.memory_space<semaphore_mem>>
      %dma_start3A_59 = arith.constant 0 : i32
      %dma_start3A_60 = tpu.memref_slice %arg5[%add3A_53, %dma_start3A_59] : memref<204800x128xf32, #tpu.memory_space<hbm>> -> memref<128x128xf32, #tpu.memory_space<hbm>>
      tpu.enqueue_dma source(%arg7 : memref<128x128xf32, #tpu.memory_space<vmem>>) target(%dma_start3A_60 : memref<128x128xf32, #tpu.memory_space<hbm>>) target_semaphore(%dma_start3A_58 : memref<!tpu.dma_semaphore, #tpu.memory_space<semaphore_mem>>)
      %mul3A_61 = arith.constant 128 : i32
      %mul3A_62 = arith.muli %scan3A_12, %mul3A_61 : i32
      %add3A_63 = arith.addi %mul3A_2, %mul3A_62 : i32
      %dma_wait3A_64 = arith.constant 0 : i32
      %dma_wait3A_65 = arith.constant 0 : i32
      %dma_wait3A_66 = tpu.memref_slice %arg5[%add3A_63, %dma_wait3A_65] : memref<204800x128xf32, #tpu.memory_space<hbm>> -> memref<128x128xf32, #tpu.memory_space<hbm>>
      %dma_wait3A_67 = tpu.memref_slice %arg16[%dma_wait3A_64] : memref<3x!tpu.dma_semaphore, #tpu.memory_space<semaphore_mem>> -> memref<1x!tpu.dma_semaphore, #tpu.memory_space<semaphore_mem>>
      %dma_wait3A_68 = tpu.memref_squeeze %dma_wait3A_67 : memref<1x!tpu.dma_semaphore, #tpu.memory_space<semaphore_mem>> -> memref<!tpu.dma_semaphore, #tpu.memory_space<semaphore_mem>>
      %dma_wait3A_69 = arith.constant 0 : i32
      %dma_wait3A_70 = tpu.memref_slice %arg5[%add3A_63, %dma_wait3A_69] : memref<204800x128xf32, #tpu.memory_space<hbm>> -> memref<128x128xf32, #tpu.memory_space<hbm>>
      tpu.wait_dma2 semaphore(%dma_wait3A_68 : memref<!tpu.dma_semaphore, #tpu.memory_space<semaphore_mem>>) src(%arg7 : memref<128x128xf32, #tpu.memory_space<vmem>>) dst(%dma_wait3A_70 : memref<128x128xf32, #tpu.memory_space<hbm>>)
    }
    %scan3A_11 = arith.constant 50 : i32
    return
  }
}

module attributes {stable_mosaic.version = 14 : i64} {
  func.func @body(%arg0: memref<1024x1xi32, #tpu.memory_space<vmem>>, %arg1: memref<200x128xf32, #tpu.memory_space<vmem>>, %arg2: memref<10x128xf32, #tpu.memory_space<vmem>>, %arg3: memref<128x128xf32, #tpu.memory_space<vmem>>, %arg4: memref<1x128xf32, #tpu.memory_space<vmem>>, %arg5: memref<10x200x128xf32, #tpu.memory_space<vmem>>, %arg6: memref<1024x200xi32, #tpu.memory_space<vmem>>) attributes {dimension_semantics = [], scalar_prefetch = 0 : i64, scratch_operands = 0 : i64, tpu.core_type = #tpu.core_type<tc>} {
    %get3A = arith.constant 0 : index
    %get3A_0 = arith.constant 0 : index
    %get3A_1 = vector.load %arg2[%get3A, %get3A_0] : memref<10x128xf32, #tpu.memory_space<vmem>>, vector<10x128xf32>
    %get3A_2 = arith.constant 0 : index
    %get3A_3 = arith.constant 0 : index
    %get3A_4 = vector.load %arg3[%get3A_2, %get3A_3] : memref<128x128xf32, #tpu.memory_space<vmem>>, vector<128x128xf32>
    %dot_general3A = arith.constant dense<0.000000e+00> : vector<10x128xf32>
    %dot_general3A_5 = tpu.matmul %get3A_1, %get3A_4, %dot_general3A {dimension_numbers = #tpu.dot_dimension_numbers<[1], [0], [0], [1], [0, 0, 1, 1], [], []>, transpose_lhs_hint = false} : vector<10x128xf32>, vector<128x128xf32>, vector<10x128xf32> -> vector<10x128xf32>
    %get3A_6 = arith.constant 0 : index
    %get3A_7 = arith.constant 0 : index
    %get3A_8 = vector.load %arg4[%get3A_6, %get3A_7] : memref<1x128xf32, #tpu.memory_space<vmem>>, vector<1x128xf32>
    %add3A = vector.broadcast %get3A_8 : vector<1x128xf32> to vector<10x128xf32>
    %add3A_9 = arith.addf %dot_general3A_5, %add3A : vector<10x128xf32>
    %max3A = arith.constant 0.000000e+00 : f32
    %max3A_10 = vector.broadcast %max3A : f32 to vector<10x128xf32>
    %max3A_11 = arith.maximumf %add3A_9, %max3A_10 : vector<10x128xf32>
    %abs3A = math.absf %add3A_9 : vector<10x128xf32>
    %neg3A = arith.constant 0.000000e+00 : f32
    %neg3A_12 = vector.broadcast %neg3A : f32 to vector<10x128xf32>
    %neg3A_13 = arith.subf %neg3A_12, %abs3A : vector<10x128xf32>
    %exp3A = math.exp %neg3A_13 : vector<10x128xf32>
    %log1p3A = math.log1p %exp3A : vector<10x128xf32>
    %add3A_14 = arith.addf %max3A_11, %log1p3A : vector<10x128xf32>
    %broadcast_in_dim3A = vector.shape_cast %add3A_14 : vector<10x128xf32> to vector<10x1x128xf32>
    %get3A_15 = arith.constant 0 : index
    %get3A_16 = arith.constant 0 : index
    %get3A_17 = vector.load %arg1[%get3A_15, %get3A_16] : memref<200x128xf32, #tpu.memory_space<vmem>>, vector<200x128xf32>
    %broadcast_in_dim3A_18 = vector.shape_cast %get3A_17 : vector<200x128xf32> to vector<1x200x128xf32>
    %add3A_19 = vector.broadcast %broadcast_in_dim3A : vector<10x1x128xf32> to vector<10x200x128xf32>
    %add3A_20 = vector.broadcast %broadcast_in_dim3A_18 : vector<1x200x128xf32> to vector<10x200x128xf32>
    %add3A_21 = arith.addf %add3A_19, %add3A_20 : vector<10x200x128xf32>
    %swap3A = arith.constant 0 : index
    %swap3A_22 = arith.constant 0 : index
    %swap3A_23 = arith.constant 0 : index
    %swap3A_24 = vector.load %arg5[%swap3A, %swap3A_22, %swap3A_23] : memref<10x200x128xf32, #tpu.memory_space<vmem>>, vector<10x200x128xf32>
    tpu.vector_store %arg5[%swap3A, %swap3A_22, %swap3A_23], %add3A_21 {strides = array<i32>} : memref<10x200x128xf32, #tpu.memory_space<vmem>>, vector<10x200x128xf32>,
    %get3A_25 = arith.constant 0 : index
    %get3A_26 = arith.constant 0 : index
    %get3A_27 = vector.load %arg0[%get3A_25, %get3A_26] : memref<1024x1xi32, #tpu.memory_space<vmem>>, vector<1024x1xi32>
    %mul3A = arith.constant 200 : i32
    %mul3A_28 = vector.broadcast %mul3A : i32 to vector<1024x1xi32>
    %mul3A_29 = arith.muli %get3A_27, %mul3A_28 : vector<1024x1xi32>
    %iota3A = tpu.iota {dimensions = array<i32: 1>} : vector<1024x200xi32>
    %add3A_30 = vector.broadcast %mul3A_29 : vector<1024x1xi32> to vector<1024x200xi32>
    %add3A_31 = arith.addi %add3A_30, %iota3A : vector<1024x200xi32>
    %swap3A_32 = arith.constant 0 : index
    %swap3A_33 = arith.constant 0 : index
    %swap3A_34 = vector.load %arg6[%swap3A_32, %swap3A_33] : memref<1024x200xi32, #tpu.memory_space<vmem>>, vector<1024x200xi32>
    tpu.vector_store %arg6[%swap3A_32, %swap3A_33], %add3A_31 {strides = array<i32>} : memref<1024x200xi32, #tpu.memory_space<vmem>>, vector<1024x200xi32>,
    return
  }
}

</mosaic_0001>

<sc_bundles>
// kernel: kernel.4.cloned.1.call-start
scs
__scs_entry_jumppad:
0x0: {  	(pc) =	sbr.rel $0x88, $3  }
0x1: {  	(tag) =	ssettag $0x0;
	lr =	simm.s32 $0x1  }
0x2: {  	[smem:$0x3F9A] =	sst lr;
	_ =	strace $0xD0000000  }
0x3: {  	_ = 	snop  }
0x4: {  	_ = 	snop  }
0x5: {  	_ = 	snop  }
0x6: {  	_ = 	snop  }
0x7: {  	_ = 	snop  }
__scs_overlays_trampoline_lowered:
0x8: {  	[smem:$0x3FA9] =	sst s0  }
0x9: {  	[smem:$0x3FAA] =	sst s1  }
0xa: {  	[smem:$0x3FAB] =	sst s2  }
0xb: {  	[smem:$0x3FAC] =	sst s3  }
0xc: {  	[smem:$0x3FAD] =	sst s4  }
0xd: {  	[smem:$0x3FAE] =	sst s5  }
0xe: {  	[smem:$0x3FAF] =	sst s6  }
0xf: {  	[smem:$0x3FB0] =	sst s7  }
0x10: {  	[smem:$0x3FB1] =	sst s8  }
0x11: {  	[smem:$0x3FB2] =	sst s9;
	s0 =	simm.s32 @!p0 $0x0  }
0x12: {  	s1 =	sld [smem:$0x3F98];
	s0 =	simm.s32 @p0 $0x1  }
0x13: {  	[smem:$0x3FB3] =	sst s0;
	s0 =	simm.s32 @!p1 $0x0  }
0x14: {  	s2 =	sld [smem:$0x3F97];
	s0 =	simm.s32 @p1 $0x1  }
0x15: {  	[smem:$0x3FB4] =	sst s0;
	s0 =	simm.s32 @!p2 $0x0  }
0x16: {  	s3 =	sld [smem:$0x3FDB];
	s0 =	simm.s32 @p2 $0x1  }
0x17: {  	s4 =	simm.s32 $0x1BF5;
	[smem:$0x3FB6] =	sst s0  }
0x18: {  	s0 =	sld [smem:$0x3F99];
	_ =	swait.ge [sflag:s4], $0x0  }
0x19: {  	s7 =	sld [smem:$0x3F9A]  }
0x1a: {  	s8 =	sadd.s32 $0xFFFFE003, lr  }
0x1b: {  	s9 =	sadd.s32 $0xFFFFFEF7, lr;
	s5 =	simm.s32 $0xFFFFFFFF;
	p2 =	slt.u32 s8, $0xFFFFF086  }
0x1c: {  	p1 =	slt.u32 s9, $0xF7A;
	s5 =	simm.s32 @!p2 $0x0  }
0x1d: {  	s5 =	simm.s32 @p1 $0x1;
	p0 =	seq.s32 s7, s2  }
0x1e: {  	s7 =	smul.u32 @!p0 $0xF7A, s2;
	p2 =	seq.s32 @!p0 s5, $0x0  }
0x1f: {  	s9 =	smul.u32 $0xF7A, s1;
	s8 =	simm.s32 @!p0 $0x1BF5;
	p2 =	por !p2, p0  }
0x20: {  	[sflag:s8] =	ssyncset.s32 @!p0 $0xFFFFF086;
	s6 =	sadd.s32 @!p0 s3, s7;
	s7 =	simm.s32 @!p0 $0x108  }
0x21: {  	s3 =	sadd.s32 s3, s9;
	s6 =	sadd.s32 @!p0 $0x88, s6;
	s7 =	simm.s32 @p2 $0x1082  }
0x22: {  	[simem:s7], [sflag:s8] =	dma.local @!p0 [hbm:s6], $0xF7A  }
0x23: {  	s9 =	sor.u32 $0xD0000000, s2;
	s6 =	simm.s32 $0x108;
	_ =	swait.ge @!p0 [sflag:s8], $0x0  }
0x24: {  	s3 =	sadd.s32 $0x88, s3;
	s6 =	simm.s32 @!p1 $0x1082;
	[sflag:s4] =	ssyncset.s32 $0xFFFFF086  }
0x25: {  	[simem:s6], [sflag:s4] =	dma.local [hbm:s3], $0xF7A  }
0x26: {  	[smem:$0x3F9A] =	sst s1;
	(tag) =	ssettag s2;
	_ =	strace s9  }
0x27: {  	s1 =	sld [smem:$0x3FAA]  }
0x28: {  	s2 =	sld [smem:$0x3FAB]  }
0x29: {  	s4 =	sld [smem:$0x3FAD]  }
0x2a: {  	p0 =	seq.s32 s5, $0x0;
	s5 =	sld [smem:$0x3FAE]  }
0x2b: {  	s6 =	sld [smem:$0x3FAF]  }
0x2c: {  	s7 =	sld [smem:$0x3FB0]  }
0x2d: {  	s3 =	simm.s32 $0x108;
	s8 =	sld [smem:$0x3FB1]  }
0x2e: {  	s3 =	simm.s32 @!p0 $0x1082;
	s9 =	sld [smem:$0x3FB2]  }
0x2f: {  	lr =	sadd.s32 s0, s3;
	s0 =	sld [smem:$0x3FA9]  }
0x30: {  	s3 =	sld [smem:$0x3FAC]  }
0x31: {  	[smem:$0x3FB5] =	sst s10  }
0x32: {  	s10 =	sld [smem:$0x3FB3];
	_ =	sdelay $0x3  }
0x33: {  	p0 =	seq.s32 s10, $0x1;
	s10 =	sld [smem:$0x3FB5];
	_ =	sdelay $0x3  }
0x34: {  	[smem:$0x3FB5] =	sst s10  }
0x35: {  	s10 =	sld [smem:$0x3FB4];
	_ =	sdelay $0x3  }
0x36: {  	p1 =	seq.s32 s10, $0x1;
	s10 =	sld [smem:$0x3FB5];
	_ =	sdelay $0x3  }
0x37: {  	[smem:$0x3FB5] =	sst s10  }
0x38: {  	s10 =	sld [smem:$0x3FB6]  }
0x39: {  	_ = 	snop;
	(pc) =	sbr.ind lr, $3  }
0x3a: {  	_ = 	snop  }
0x3b: {  	_ = 	snop  }
0x3c: {  	p2 =	seq.s32 s10, $0x1;
	s10 =	sld [smem:$0x3FB5]  }
0x3d: {  	_ =	shalt  }
0x3e: {  	_ =	shalt  }
0x3f: {  	_ =	shalt  }
0x40: {  	_ =	shalt  }
0x41: {  	_ =	shalt  }
0x42: {  	_ =	shalt  }
0x43: {  	_ =	shalt  }
0x44: {  	_ =	shalt  }
0x45: {  	_ =	shalt  }
0x46: {  	_ =	shalt  }
0x47: {  	_ =	shalt  }
0x48: {  	_ =	shalt  }
0x49: {  	_ =	shalt  }
0x4a: {  	_ =	shalt  }
0x4b: {  	_ =	shalt  }
0x4c: {  	_ =	shalt  }
0x4d: {  	_ =	shalt  }
0x4e: {  	_ =	shalt  }
0x4f: {  	_ =	shalt  }
0x50: {  	_ =	shalt  }
0x51: {  	_ =	shalt  }
0x52: {  	_ =	shalt  }
0x53: {  	_ =	shalt  }
0x54: {  	_ =	shalt  }
0x55: {  	_ =	shalt  }
0x56: {  	_ =	shalt  }
0x57: {  	_ =	shalt  }
0x58: {  	_ =	shalt  }
0x59: {  	_ =	shalt  }
0x5a: {  	_ =	shalt  }
0x5b: {  	_ =	shalt  }
0x5c: {  	_ =	shalt  }
0x5d: {  	_ =	shalt  }
0x5e: {  	_ =	shalt  }
0x5f: {  	_ =	shalt  }
0x60: {  	_ =	shalt  }
0x61: {  	_ =	shalt  }
0x62: {  	_ =	shalt  }
0x63: {  	_ =	shalt  }
0x64: {  	_ =	shalt  }
0x65: {  	_ =	shalt  }
0x66: {  	_ =	shalt  }
0x67: {  	_ =	shalt  }
0x68: {  	_ =	shalt  }
0x69: {  	_ =	shalt  }
0x6a: {  	_ =	shalt  }
0x6b: {  	_ =	shalt  }
0x6c: {  	_ =	shalt  }
0x6d: {  	_ =	shalt  }
0x6e: {  	_ =	shalt  }
0x6f: {  	_ =	shalt  }
0x70: {  	_ =	shalt  }
0x71: {  	_ =	shalt  }
0x72: {  	_ =	shalt  }
0x73: {  	_ =	shalt  }
0x74: {  	_ =	shalt  }
0x75: {  	_ =	shalt  }
0x76: {  	_ =	shalt  }
0x77: {  	_ =	shalt  }
0x78: {  	_ =	shalt  }
0x79: {  	_ =	shalt  }
0x7a: {  	_ =	shalt  }
0x7b: {  	_ =	shalt  }
0x7c: {  	_ =	shalt  }
0x7d: {  	_ =	shalt  }
0x7e: {  	_ =	shalt  }
0x7f: {  	_ =	shalt  }
0x80: {  	_ =	shalt  }
0x81: {  	_ =	shalt  }
0x82: {  	_ =	shalt  }
0x83: {  	_ =	shalt  }
0x84: {  	_ =	shalt  }
0x85: {  	_ =	shalt  }
0x86: {  	_ =	shalt  }
0x87: {  	_ =	shalt  }
.Lfunc_end0:
.L_simem_size_0:
called_computation_lowered:
.L_overlay_start_0:
0x88: {  	s2 =	sld [smem:$0x3FD9]  }
0x89: {  	s3 =	sld [smem:$0x3FFE];
	_ =	sdelay $0x1  }
0x8a: {  	s1 =	srdreg.scid  }
0x8b: {  	s0 =	sand.u32 $0x1, s1  }
0x8c: {  	s17 =	sshll.u32 s0, $0xA;
	s2 =	sadd.s32 s3, s2  }
0x8d: {  	s2 =	sadd.s32 s2, s17  }
0x8e: {  	[smem:$0x3FC1] =	sst s2  }
0x8f: {  	_ = 	snop  }
0x90: {  	s2 =	sld [smem:$0x3FC7]  }
0x91: {  	s18 =	sld [smem:$0x3FD0];
	(tm) =	ssettm $0x1  }
0x92: {  	s4 =	sld [smem:$0x3FFB];
	_ =	sdelay $0x3  }
0x93: {  	_ =	strace s4  }
0x94: {  	s4 =	sld [smem:$0x3FFC];
	_ =	sdelay $0x3  }
0x95: {  	_ =	strace s4  }
0x96: {  	s4 =	sld [smem:$0x3FFD];
	_ =	sdelay $0x3  }
0x97: {  	_ =	strace s4  }
0x98: {  	_ =	strace $0x8FFFFFFF  }
0x99: {  	s19 =	sld [smem:$0x3FDB];
	_ =	sdelay $0x1  }
0x9a: {  	s5 =	simm.s32 $_scs_section_size  }
0x9b: {  	s6 =	simm.s32 $_size__tile_overlayer_lowered;
	s7 =	simm.s32 $_tile_overlayer_lowered  }
0x9c: {  	s22 =	simm.s32 $0x1BFF;
	s21 =	sshll.u32 s7, $0x1;
	s4 =	sadd.s32 s5, s19  }
0x9d: {  	s8 =	simm.s32 $0x0;
	s20 =	sshll.u32 s6, $0x1;
	s6 =	sadd.s32 s21, s4  }
0x9e: {  	[timem:s8], [sflag:s22] =	dma.local [hbm:s6], s20  }
0x9f: {  	_ =	swait.ge [sflag:s22], s20  }
0xa0: {  	s5 =	ssub.s32 $0x0, s20;
	[sflag:s22] =	ssyncset.done $0x0  }
0xa1: {  	[sflag:s22] =	ssyncadd.s32 s5;
	_ =	sdelay $0x1  }
0xa2: {  	s23 =	simm.s32 $0x1B8B  }
0xa3: {  	_ =	swait.ge [sflag:s23], $0x1  }
0xa4: {  	[sflag:s23] =	ssyncset.done $0x0  }
0xa5: {  	s25 =	simm.s32 $0x1B8E;
	s24 =	sld [smem:$0x3FFE];
	[sflag:s23] =	ssyncadd.s32 $0xFFFFFFFF  }
0xa6: {  	s26 =	simm.s32 $execute0_lowered;
	[smem:$0x3FD2] =	sst s25  }
0xa7: {  	s6 =	sshll.u32 s26, $0x1;
	_ =	strace $0x80000046;
	[dreg:$0x1] =	wrdreg $0xFFFFFFFF  }
0xa8: {  	s28 =	simm.s32 $_size_execute0_lowered;
	s4 =	sadd.s32 s4, s6;
	[dreg:$0x0] =	wrdreg $0x0  }
0xa9: {  	s6 =	sshll.u32 s28, $0x1;
	[dreg:$0x2] =	wrdreg s4  }
0xaa: {  	[dreg:$0x3] =	wrdreg s6  }
0xab: {  	[dreg:$0x4] =	wrdreg $0xC0  }
0xac: {  	_ =	task [dreg:s8], $0x5FFFF  }
0xad: {  	[dreg:$0x1] =	wrdreg $0xFFFFFFFF  }
0xae: {  	[dreg:$0x0] =	wrdreg $0x60  }
0xaf: {  	[dreg:$0x2] =	wrdreg s2  }
0xb0: {  	[dreg:$0x3] =	wrdreg s24  }
0xb1: {  	[dreg:$0x4] =	wrdreg s18  }
0xb2: {  	[dreg:$0x5] =	wrdreg $0x74000  }
0xb3: {  	[dreg:$0x6] =	wrdreg $0x9  }
0xb4: {  	_ =	task.clear_ibuf [dreg:s8], $0x7FFFF;
	_ =	strace $0x90000046  }
0xb5: {  	s29 =	simm.s32 $0x9;
	_ =	strace $0x80000048  }
0xb6: {  	_ =	swait.ge [sflag:s29], $0x1  }
0xb7: {  	[sflag:s29] =	ssyncadd.s32 $0xFFFFFFFF  }
0xb8: {  	_ =	strace $0x90000048  }
0xb9: {  	_ =	sfence  }
0xba: {  	s30 =	sld [smem:$0x0];
	_ =	sdelay $0x2  }
0xbb: {  	s31 =	sshll.u32 s1, $0xD;
	s1 =	sshrl.u32 s1, $0x2  }
0xbc: {  	s3 =	sand.u32 $0x4000, s31;
	s1 =	sadd.s32 s1, s30  }
0xbd: {  	s0 =	sor.u32 s3, s0;
	s1 =	sshll.u32 s1, $0x11  }
0xbe: {  	s0 =	sor.u32 s1, s0  }
0xbf: {  	s0 =	sadd.s32 $0x8F2B, s0  }
0xc0: {  	[sflag:s0] =	ssyncadd.remote.s32 $0x1  }
0xc1: {  	_ =	sfence.sel $0xFFFF  }
0xc2: {  	[dreg:$0x0] =	wrdreg $0xFFFFFFFF;
	(pc) =	sbr.abs _section_cstart, $3  }
0xc3: {  	[dreg:$0x1] =	wrdreg $0xFFFFFFFF  }
0xc4: {  	_ =	task.clear_ibuf [dreg:s8], $0x2FFFF;
	_ =	strace $0x9FFFFFFF  }
0xc5: {  	(tm) =	ssettm $0x7FFFFFFF  }
tec
execute0_lowered:
.L_overlay_start_1:
0x0: {  	(tag) =	ssettag $0x1  }
0x1: {  	s0 =	rddreg [dreg:$0x0]  }
0x2: {  	s4 =	rddreg [dreg:$0x1];
	s1 =	srdreg.scid  }
0x3: {  	s7 =	stileid.u32;
	s8 =	rddreg [dreg:$0x2]  }
0x4: {  	s2 =	rddreg [dreg:$0x3];
	s3 =	simm.s32 $0x0;
	s12 =	simm.s32 $0x1  }
0x5: {  	s13 =	simm.s32 $0x4;
	s14 =	simm.s32 $0x7;
	s15 =	simm.s32 $0x0  }
0x6: {  	s5 =	sand.u32 $0x1, s1;
	s29 =	sshll.u32 s7, $0x1;
	s9 =	smul.u32 $0x190000, s7  }
0x7: {  	s1 =	rddreg [dreg:$0x4];
	s6 =	sor.u32 s5, s29;
	s11 =	smul.u32 $0xC8000, s5  }
0x8: {  	[smem:$0x7FF] =	sst s3;
	s10 =	ssub.s32 $0x2, s5;
	s6 =	smul.u32 $0x680, s6  }
0x9: {  	p0 =	sne.s32 s7, $0x0;
	_ =	strace $0x80000047;
	s31 =	sshrl.u32 s10, $0x1  }
0xa: {  	s9 =	sadd.s32 s11, s9;
	s11 =	simm.s32 $0x3400;
	s30 =	sadd.s32 s6, s4  }
0xb: {  	s4 =	sadd.s32 $0xE00, s4;
	s6 =	ssub.s32 s10, s31;
	s9 =	sshrl.u32 s9, $0x3  }
0xc: {  	s10 =	simm.s32 $0x80;
	s5 =	sadd.s32 $0x8C00, s30;
	s6 =	smax.u32 s6, $0x1  }
0xd: {  	s7 =	sadd.s32 s9, s8;
	s8 =	sshrl.u32 @!p0 s2, $0x3;
	s9 =	simm.s32 $0xA  }
.LBB2_1:
0xe: {  	s16 =	simm.s32 @!p0 $0x1C0A  }
0xf: {  	[spmem:s8], [sflag:s16] =	dma.local @!p0 [hbm:s4], $0x7D00  }
0x10: {  	s16 =	simm.s32 @!p0 $0xA  }
0x11: {  	_ =	swait.ge @!p0 [sflag:s16], $0x7D00  }
0x12: {  	[sflag:s16] =	ssyncset.done @!p0 $0x0  }
0x13: {  	[sflag:s16] =	ssyncadd.s32 @!p0 $0xFFFF8300  }
0x14: {  	[tilespmem:s3], [sflag:$0xA] =	stream.linear.gather [hbm4b:s5+s3], $0x3400, $0x38;
	[tilespmem:$0xB280] =	vst v63  }
0x15: {  	_ =	swait.ge [sflag:s9], $0x3400  }
0x16: {  	[sflag:s9] =	ssyncset.done $0x0  }
0x17: {  	[sflag:s9] =	ssyncadd.s32 $0xFFFFCC00  }
0x18: {  	[bflag:$0x0] =	sbarrier.arrive $0xFFFF  }
0x19: {  	[tilespmem:s11], [sflag:$0x1] =	stream.indirect.gather [hbm4b:s0+s10], $0x80, s3, s10, $0xb8;
	[tilespmem:$0xB280] =	vst v63  }
0x1a: {  	_ =	swait.ge [sflag:s12], $0x4000  }
0x1b: {  	[sflag:s12] =	ssyncset.done $0x0  }
0x1c: {  	s30 =	simm.s32 $0x80;
	[sflag:s12] =	ssyncadd.s32 $0xFFFFC000  }
0x1d: {  	[tilespmem:s11], [sflag:$0x4] =	stream.indirect.gather.add.f32 [spmem:s2], $0x80, s30, s10, $0xb8;
	[tilespmem:$0xB280] =	vst v63  }
0x1e: {  	_ =	swait.ge [sflag:s13], $0x4000  }
0x1f: {  	[sflag:s13] =	ssyncset.done $0x0  }
0x20: {  	s31 =	sadd.s32 $0x0, s7;
	[sflag:s13] =	ssyncadd.s32 $0xFFFFC000  }
0x21: {  	[hbm4b:s31+s3] =	stream.linear.scatter [tilespmem:s11], [sflag:$0x7], $0x4000, $0x38;
	[tilespmem:$0xB280] =	vst v63  }
0x22: {  	_ =	swait.ge [sflag:s14], $0x4000  }
0x23: {  	s17 =	simm.s32 $0x0;
	s16 =	simm.s32 $0x800;
	[sflag:s14] =	ssyncset.done $0x0  }
.LBB2_2:
0x24: {  	p1 =	sne.s32 s16, $0x18800;
	[sflag:s14] =	ssyncadd.s32 $0xFFFFC000;
	s17 =	sadd.s32 $0x100, s17  }
0x25: {  	[tilespmem:s11], [sflag:$0x1] =	stream.indirect.gather [hbm4b:s0+s10], $0x80, s17, s10, $0xb8;
	[tilespmem:$0xB280] =	vst v63  }
0x26: {  	s18 =	smov.u32 s16;
	s16 =	sadd.s32 $0x800, s16;
	_ =	swait.ge [sflag:s12], $0x4000  }
0x27: {  	[sflag:s12] =	ssyncset.done $0x0  }
0x28: {  	s19 =	sadd.s32 $0x80, s17;
	[sflag:s12] =	ssyncadd.s32 $0xFFFFC000  }
0x29: {  	[tilespmem:s11], [sflag:$0x4] =	stream.indirect.gather.add.f32 [spmem:s2], $0x80, s19, s10, $0xb8;
	[tilespmem:$0xB280] =	vst v63  }
0x2a: {  	_ =	swait.ge [sflag:s13], $0x4000  }
.Ltmp0:
0x2b: {  	[sflag:s13] =	ssyncset.done $0x0;
	(pc) =	sbr.rel @p1 .LBB2_2-.Ltmp0, $4  }
0x2c: {  	s18 =	sadd.s32 s18, s7;
	[sflag:s13] =	ssyncadd.s32 $0xFFFFC000  }
0x2d: {  	[hbm4b:s18+s3] =	stream.linear.scatter [tilespmem:s11], [sflag:$0x7], $0x4000, $0x38;
	[tilespmem:$0xB280] =	vst v63  }
0x2e: {  	_ =	swait.ge [sflag:s14], $0x4000  }
0x2f: {  	[sflag:s14] =	ssyncset.done $0x0  }
0x30: {  	s15 =	sadd.s32 $0x1, s15  }
0x31: {  	p1 =	sne.s32 s15, s6  }
.Ltmp1:
0x32: {  	_ = 	snop;
	(pc) =	sbr.rel @p1 .LBB2_1-.Ltmp1, $2  }
0x33: {  	_ =	sdelay $0x2  }
0x34: {  	[sflag:s14] =	ssyncadd.s32 $0xFFFFC000  }
0x35: {  	_ =	sfence.sel $0x180000  }
0x36: {  	[bflag:$0x0] =	sbarrier.arrive $0xFFFF  }
0x37: {  	_ =	strace $0x90000047  }
0x38: {  	s0 =	sadd.s32 @!p0 $0x100000, s1;
	[bflag:$0x2] =	sbarrier.arrive $0xFFFF  }
0x39: {  	[sflag:s0] =	ssyncadd.tile.s32 @!p0 $0x1;
	_ =	shalt  }
.Lfunc_end2:
_tile_overlayer_lowered:
.L_overlay_start_2:
0x3a: {  	(tag) =	ssettag $0x2  }
0x3b: {  	s0 =	rddreg [dreg:$0x0];
	s2 =	stileid.u32  }
0x3c: {  	s1 =	rddreg [dreg:$0x1];
	p0 =	sne.s32 s2, $0x0  }
0x3d: {  	s3 =	rddreg [dreg:$0x2];
	[bflag:$0x3] =	sbarrier.arrive $0xFFFF;
	s2 =	simm.s32 @!p0 $0x1C0A  }
0x3e: {  	[timem:s3], [sflag:s2] =	dma.local @!p0 [hbm:s0], s1  }
0x3f: {  	s0 =	simm.s32 @!p0 $0xA  }
0x40: {  	_ =	swait.ge @!p0 [sflag:s0], s1  }
0x41: {  	s1 =	ssub.s32 @!p0 $0x0, s1;
	[sflag:s0] =	ssyncset.done @!p0 $0x0  }
0x42: {  	[sflag:s0] =	ssyncadd.s32 @!p0 s1  }
0x43: {  	[bflag:$0x3] =	sbarrier.arrive $0xFFFF  }
0x44: {  	_ =	shalt  }

</sc_bundles>
